<compile_context>
chip_gen: v7x
topology: tpu7x:2x2x1
jax: 0.10.2.dev20260603
libtpu: 0.0.44.dev20260713+nightly
codegen_flags: <defaults>
</compile_context>

<pallas_src>
import functools

import jax
import jax.numpy as jnp
from jax import lax
from jax.experimental import pallas as pl
from jax.experimental.pallas import tpu as pltpu
from jax.experimental.pallas import tpu_sc as plsc

_BITS_07 = 0x3F333333


def _dense_body(x_ref, t_ref, loss_ref, bits_ref, *, nb):
    i = pl.program_id(0)
    x = x_ref[...]
    t = t_ref[...]
    cls = lax.broadcasted_iota(jnp.int32, x.shape, 0)
    e = jnp.exp(x)
    s = jnp.sum(e, axis=0)
    tx = jnp.sum(jnp.where(cls == t[None], x, 0.0), axis=0)
    loss = jnp.log(s) - tx
    pred = jnp.exp(-loss)
    loss_ref[...] = loss
    bits_ref[...] = lax.bitcast_convert_type(pred, jnp.int32)


def _search_body(bits_ref, loss_ref, out_ref, *, kth):
    bits = bits_ref[...]

    def bs_body(_, carry):
        lo, hi = carry
        mid = lax.div(lo + hi, 2)
        cnt = jnp.sum((bits <= mid).astype(jnp.int32))
        geq = cnt >= kth + 1
        return (jnp.where(geq, lo, mid + 1), jnp.where(geq, mid, hi))

    lo, _ = lax.fori_loop(0, 31, bs_body, (jnp.int32(0), jnp.int32(1 << 30)))
    thr = jnp.maximum(lo, _BITS_07)
    keep = bits < thr
    num = jnp.sum(jnp.where(keep, loss_ref[...], 0.0))
    den = jnp.sum(keep.astype(jnp.float32))
    out_ref[...] = (num / den)[None, None]


def _sc_partials(bits_flat, loss_flat, *, chunk):
    mesh = plsc.VectorSubcoreMesh(core_axis_name="c", subcore_axis_name="s")

    @functools.partial(
        pl.kernel, mesh=mesh,
        out_type=jax.ShapeDtypeStruct((64, 16), jnp.float32),
        scratch_types=[
            pltpu.VMEM((chunk,), jnp.int32),
            pltpu.VMEM((chunk,), jnp.float32),
            pltpu.VMEM((2, 16), jnp.float32),
        ],
    )
    def sc_kernel(bits_hbm, loss_hbm, out_hbm, bits_v, loss_v, res_v):
        wid = lax.axis_index("s") * 2 + lax.axis_index("c")
        base = wid * chunk
        pltpu.sync_copy(bits_hbm.at[pl.ds(base, chunk)], bits_v)
        pltpu.sync_copy(loss_hbm.at[pl.ds(base, chunk)], loss_v)

        def body(j, carry):
            cnt_v, sm_v = carry
            b = bits_v[pl.ds(j * 16, 16)]
            l = loss_v[pl.ds(j * 16, 16)]
            kf = jnp.where(b < _BITS_07, 1.0, 0.0)
            return cnt_v + kf, sm_v + l * kf

        zero = jnp.zeros((16,), jnp.float32)
        cnt_v, sm_v = lax.fori_loop(0, chunk // 16, body, (zero, zero))
        res_v[0] = cnt_v
        res_v[1] = sm_v
        pltpu.sync_copy(res_v, out_hbm.at[pl.ds(2 * wid, 2)])

    return sc_kernel(bits_flat, loss_flat)


def kernel(score, target):
    n, c = score.shape
    lanes = 128
    srows = n // lanes
    bs = 256
    nb = srows // bs
    kth = min(int(0.7 * n), n - 1)

    xt3 = jnp.transpose(score.reshape(srows, lanes, c), (2, 0, 1))
    t2 = target.reshape(srows, lanes)

    loss2d, bits2d = pl.pallas_call(
        functools.partial(_dense_body, nb=nb),
        grid=(nb,),
        in_specs=[
            pl.BlockSpec((c, bs, lanes), lambda i: (0, i, 0)),
            pl.BlockSpec((bs, lanes), lambda i: (i, 0)),
        ],
        out_specs=[
            pl.BlockSpec((bs, lanes), lambda i: (i, 0)),
            pl.BlockSpec((bs, lanes), lambda i: (i, 0)),
        ],
        out_shape=[
            jax.ShapeDtypeStruct((srows, lanes), jnp.float32),
            jax.ShapeDtypeStruct((srows, lanes), jnp.int32),
        ],
    )(xt3, t2)

    partials = _sc_partials(bits2d.reshape(-1), loss2d.reshape(-1),
                            chunk=n // 32)
    cnt = jnp.sum(partials[0::2])
    sm = jnp.sum(partials[1::2])

    def _fast(_):
        return sm / cnt

    def _search(_):
        out = pl.pallas_call(
            functools.partial(_search_body, kth=kth),
            out_shape=jax.ShapeDtypeStruct((1, 1), jnp.float32),
        )(bits2d, loss2d)
        return out[0, 0]

    return lax.cond(cnt > jnp.float32(kth), _fast, _search, None)

# --- scband reference (transcript-rebuilt; emitter-appended) ---
"""Pipeline reference for scband-ohem-cross-entropy-68994354643060 (READ-ONLY COPY).

The authoritative reference and input builder live on the scoring server;
editing this copy changes nothing except your own understanding.
"""

import jax, jax.numpy as jnp
import numpy as np

THRESH = 0.7
MIN_KEPT = 0.7


def setup_inputs(seed: int = 0) -> dict:
    key = jax.random.key(seed)
    k1, k2 = jax.random.split(key)
    N, C = 262144, 19
    score = jax.random.normal(k1, (N, C), dtype=jnp.float32)
    target = jax.random.randint(k2, (N,), 0, C, dtype=jnp.int32)
    return {"score": score, "target": target}


def reference(score, target):
    N = score.shape[0]
    min_kept_value = int(MIN_KEPT * N)
    # per-pixel cross entropy, reduction='none'
    logp = jax.nn.log_softmax(score, axis=1)
    idx = jnp.arange(N)
    pixel_losses = -logp[idx, target]
    # softmax prob of the target class (gather)
    pred = jax.nn.softmax(score, axis=1)[idx, target]
    # sort probabilities ascending, keep permutation
    ind = jnp.argsort(pred)
    pred_sorted = pred[ind]
    min_value = pred_sorted[min(min_kept_value, N - 1)]
    threshold = jnp.maximum(min_value, THRESH)
    losses_sorted = pixel_losses[ind]
    mask = (pred_sorted < threshold).astype(losses_sorted.dtype)
    # mean over kept (hard) pixels
    return jnp.sum(losses_sorted * mask) / jnp.sum(mask)

if __name__ == "__main__":
    import jax
    _d = setup_inputs()
    print(jax.jit(kernel)(*tuple(_d.values())))

</pallas_src>

<mosaic_0001>
#map = affine_map<(d0, d1) -> (0)>
#map1 = affine_map<(d0, d1) -> (0, 0)>
module attributes {stable_mosaic.version = 14 : i64} {
  func.func @sc_kernel(%arg0: i32, %arg1: i32, %arg2: memref<262144xi32, #tpu.memory_space<hbm>>, %arg3: memref<262144xf32, #tpu.memory_space<hbm>>, %arg4: memref<64x16xf32, #tpu.memory_space<hbm>>, %arg5: memref<8192xi32, #tpu.memory_space<vmem>>, %arg6: memref<8192xf32, #tpu.memory_space<vmem>>, %arg7: memref<2x16xf32, #tpu.memory_space<vmem>>) attributes {dimension_semantics = [#tpu.dimension_semantics<core_parallel>, #tpu.dimension_semantics<subcore_parallel>], iteration_bounds = array<i64: 2, 16>, scalar_prefetch = 0 : i64, scratch_operands = 3 : i64, tpu.core_type = #tpu.core_type<sc_vector_subcore>, window_params = [{transform_indices = #map}, {transform_indices = #map}, {transform_indices = #map1}]} {
    %mul3A = arith.constant 2 : i32
    %mul3A_0 = arith.muli %arg1, %mul3A : i32
    %add3A = arith.addi %mul3A_0, %arg0 : i32
    %mul3A_1 = arith.constant 8192 : i32
    %mul3A_2 = arith.muli %add3A, %mul3A_1 : i32
    "tpu.region"() ({
      %run_scoped3A = tpu.sem_alloc : memref<!tpu.dma_semaphore, #tpu.memory_space<semaphore_mem>>
      %dma_start3A = tpu.memref_slice %arg2[%mul3A_2] : memref<262144xi32, #tpu.memory_space<hbm>> -> memref<8192xi32, #tpu.memory_space<hbm>>
      %dma_start3A_22 = tpu.memref_slice %arg2[%mul3A_2] : memref<262144xi32, #tpu.memory_space<hbm>> -> memref<8192xi32, #tpu.memory_space<hbm>>
      tpu.enqueue_dma source(%dma_start3A_22 : memref<8192xi32, #tpu.memory_space<hbm>>) target(%arg5 : memref<8192xi32, #tpu.memory_space<vmem>>) target_semaphore(%run_scoped3A : memref<!tpu.dma_semaphore, #tpu.memory_space<semaphore_mem>>)
      %dma_wait3A = tpu.memref_slice %arg2[%mul3A_2] : memref<262144xi32, #tpu.memory_space<hbm>> -> memref<8192xi32, #tpu.memory_space<hbm>>
      %dma_wait3A_23 = tpu.memref_slice %arg2[%mul3A_2] : memref<262144xi32, #tpu.memory_space<hbm>> -> memref<8192xi32, #tpu.memory_space<hbm>>
      tpu.wait_dma2 semaphore(%run_scoped3A : memref<!tpu.dma_semaphore, #tpu.memory_space<semaphore_mem>>) src(%dma_wait3A_23 : memref<8192xi32, #tpu.memory_space<hbm>>) dst(%arg5 : memref<8192xi32, #tpu.memory_space<vmem>>)
      tpu.yield
    }) : () -> ()
    "tpu.region"() ({
      %run_scoped3A = tpu.sem_alloc : memref<!tpu.dma_semaphore, #tpu.memory_space<semaphore_mem>>
      %dma_start3A = tpu.memref_slice %arg3[%mul3A_2] : memref<262144xf32, #tpu.memory_space<hbm>> -> memref<8192xf32, #tpu.memory_space<hbm>>
      %dma_start3A_22 = tpu.memref_slice %arg3[%mul3A_2] : memref<262144xf32, #tpu.memory_space<hbm>> -> memref<8192xf32, #tpu.memory_space<hbm>>
      tpu.enqueue_dma source(%dma_start3A_22 : memref<8192xf32, #tpu.memory_space<hbm>>) target(%arg6 : memref<8192xf32, #tpu.memory_space<vmem>>) target_semaphore(%run_scoped3A : memref<!tpu.dma_semaphore, #tpu.memory_space<semaphore_mem>>)
      %dma_wait3A = tpu.memref_slice %arg3[%mul3A_2] : memref<262144xf32, #tpu.memory_space<hbm>> -> memref<8192xf32, #tpu.memory_space<hbm>>
      %dma_wait3A_23 = tpu.memref_slice %arg3[%mul3A_2] : memref<262144xf32, #tpu.memory_space<hbm>> -> memref<8192xf32, #tpu.memory_space<hbm>>
      tpu.wait_dma2 semaphore(%run_scoped3A : memref<!tpu.dma_semaphore, #tpu.memory_space<semaphore_mem>>) src(%dma_wait3A_23 : memref<8192xf32, #tpu.memory_space<hbm>>) dst(%arg6 : memref<8192xf32, #tpu.memory_space<vmem>>)
      tpu.yield
    }) : () -> ()
    %broadcast_in_dim3A = arith.constant 0.000000e+00 : f32
    %broadcast_in_dim3A_3 = vector.broadcast %broadcast_in_dim3A : f32 to vector<16xf32>
    %scan3A = arith.constant 0 : i32
    %scan3A_4 = arith.constant 512 : i32
    %scan3A_5 = arith.addi %scan3A, %scan3A_4 : i32
    %scan3A_6 = arith.constant 1 : i32
    %scan3A_7:2 = scf.for %scan3A_22 = %scan3A to %scan3A_5 step %scan3A_6 iter_args(%scan3A_23 = %broadcast_in_dim3A_3, %scan3A_24 = %broadcast_in_dim3A_3) -> (vector<16xf32>, vector<16xf32>)  : i32 {
      %mul3A_25 = arith.constant 16 : i32
      %mul3A_26 = arith.muli %scan3A_22, %mul3A_25 : i32
      %get3A = arith.index_cast %mul3A_26 : i32 to index
      %get3A_27 = tpu.vector_load %arg5[%get3A] {strides = array<i32>} : memref<8192xi32, #tpu.memory_space<vmem>>, vector<16xi32>,
      %get3A_28 = vector.shape_cast %get3A_27 : vector<16xi32> to vector<16xi32>
      %mul3A_29 = arith.constant 16 : i32
      %mul3A_30 = arith.muli %scan3A_22, %mul3A_29 : i32
      %get3A_31 = arith.index_cast %mul3A_30 : i32 to index
      %get3A_32 = tpu.vector_load %arg6[%get3A_31] {strides = array<i32>} : memref<8192xf32, #tpu.memory_space<vmem>>, vector<16xf32>,
      %get3A_33 = vector.shape_cast %get3A_32 : vector<16xf32> to vector<16xf32>
      %lt3A = arith.constant 1060320051 : i32
      %lt3A_34 = vector.broadcast %lt3A : i32 to vector<16xi32>
      %lt3A_35 = arith.cmpi slt, %get3A_28, %lt3A_34 : vector<16xi32>
      %jit3A = arith.constant 1.000000e+00 : f32
      %jit3A_36 = arith.constant 0.000000e+00 : f32
      %broadcast_in_dim3A_37 = vector.broadcast %jit3A : f32 to vector<16xf32>
      %broadcast_in_dim3A_38 = vector.broadcast %jit3A_36 : f32 to vector<16xf32>
      %select_n3A = arith.select %lt3A_35, %broadcast_in_dim3A_37, %broadcast_in_dim3A_38 : vector<16xi1>, vector<16xf32>
      %add3A_39 = arith.addf %scan3A_23, %select_n3A : vector<16xf32>
      %mul3A_40 = arith.mulf %get3A_33, %select_n3A : vector<16xf32>
      %add3A_41 = arith.addf %scan3A_24, %mul3A_40 : vector<16xf32>
      scf.yield %add3A_39, %add3A_41 : vector<16xf32>, vector<16xf32>
    }
    %scan3A_8 = arith.constant 512 : i32
    %swap3A = arith.constant 0 : i32
    %swap3A_9 = arith.index_cast %swap3A : i32 to index
    %swap3A_10 = arith.constant 0 : index
    %swap3A_11 = tpu.vector_load %arg7[%swap3A_9, %swap3A_10] {strides = array<i32>} : memref<2x16xf32, #tpu.memory_space<vmem>>, vector<1x16xf32>,
    %swap3A_12 = vector.shape_cast %swap3A_11 : vector<1x16xf32> to vector<16xf32>
    %swap3A_13 = vector.shape_cast %scan3A_7#0 : vector<16xf32> to vector<1x16xf32>
    tpu.vector_store %arg7[%swap3A_9, %swap3A_10], %swap3A_13 {strides = array<i32>} : memref<2x16xf32, #tpu.memory_space<vmem>>, vector<1x16xf32>,
    %swap3A_14 = arith.constant 1 : i32
    %swap3A_15 = arith.index_cast %swap3A_14 : i32 to index
    %swap3A_16 = arith.constant 0 : index
    %swap3A_17 = tpu.vector_load %arg7[%swap3A_15, %swap3A_16] {strides = array<i32>} : memref<2x16xf32, #tpu.memory_space<vmem>>, vector<1x16xf32>,
    %swap3A_18 = vector.shape_cast %swap3A_17 : vector<1x16xf32> to vector<16xf32>
    %swap3A_19 = vector.shape_cast %scan3A_7#1 : vector<16xf32> to vector<1x16xf32>
    tpu.vector_store %arg7[%swap3A_15, %swap3A_16], %swap3A_19 {strides = array<i32>} : memref<2x16xf32, #tpu.memory_space<vmem>>, vector<1x16xf32>,
    %mul3A_20 = arith.constant 2 : i32
    %mul3A_21 = arith.muli %mul3A_20, %add3A : i32
    "tpu.region"() ({
      %run_scoped3A = tpu.sem_alloc : memref<!tpu.dma_semaphore, #tpu.memory_space<semaphore_mem>>
      %dma_start3A = arith.constant 0 : i32
      %dma_start3A_22 = tpu.memref_slice %arg4[%mul3A_21, %dma_start3A] : memref<64x16xf32, #tpu.memory_space<hbm>> -> memref<2x16xf32, #tpu.memory_space<hbm>>
      %dma_start3A_23 = arith.constant 0 : i32
      %dma_start3A_24 = tpu.memref_slice %arg4[%mul3A_21, %dma_start3A_23] : memref<64x16xf32, #tpu.memory_space<hbm>> -> memref<2x16xf32, #tpu.memory_space<hbm>>
      tpu.enqueue_dma source(%arg7 : memref<2x16xf32, #tpu.memory_space<vmem>>) target(%dma_start3A_24 : memref<2x16xf32, #tpu.memory_space<hbm>>) target_semaphore(%run_scoped3A : memref<!tpu.dma_semaphore, #tpu.memory_space<semaphore_mem>>)
      %dma_wait3A = arith.constant 0 : i32
      %dma_wait3A_25 = tpu.memref_slice %arg4[%mul3A_21, %dma_wait3A] : memref<64x16xf32, #tpu.memory_space<hbm>> -> memref<2x16xf32, #tpu.memory_space<hbm>>
      %dma_wait3A_26 = arith.constant 0 : i32
      %dma_wait3A_27 = tpu.memref_slice %arg4[%mul3A_21, %dma_wait3A_26] : memref<64x16xf32, #tpu.memory_space<hbm>> -> memref<2x16xf32, #tpu.memory_space<hbm>>
      tpu.wait_dma2 semaphore(%run_scoped3A : memref<!tpu.dma_semaphore, #tpu.memory_space<semaphore_mem>>) src(%arg7 : memref<2x16xf32, #tpu.memory_space<vmem>>) dst(%dma_wait3A_27 : memref<2x16xf32, #tpu.memory_space<hbm>>)
      tpu.yield
    }) : () -> ()
    return
  }
}

module attributes {stable_mosaic.version = 14 : i64} {
  func.func @_dense_body(%arg0: i32, %arg1: memref<19x256x128xf32, #tpu.memory_space<vmem>>, %arg2: memref<256x128xi32, #tpu.memory_space<vmem>>, %arg3: memref<256x128xf32, #tpu.memory_space<vmem>>, %arg4: memref<256x128xi32, #tpu.memory_space<vmem>>) attributes {dimension_semantics = [#tpu.dimension_semantics<arbitrary>], iteration_bounds = array<i64: 8>, scalar_prefetch = 0 : i64, scratch_operands = 0 : i64, tpu.core_type = #tpu.core_type<tc>, window_params = [{transform_indices = @transform_0, window_bounds = array<i64: 19, 256, 128>}, {transform_indices = @transform_1, window_bounds = array<i64: 256, 128>}, {transform_indices = @transform_2, window_bounds = array<i64: 256, 128>}, {transform_indices = @transform_3, window_bounds = array<i64: 256, 128>}]} {
    %get3A = arith.constant 0 : index
    %get3A_0 = arith.constant 0 : index
    %get3A_1 = arith.constant 0 : index
    %get3A_2 = vector.load %arg1[%get3A, %get3A_0, %get3A_1] : memref<19x256x128xf32, #tpu.memory_space<vmem>>, vector<19x256x128xf32>
    %get3A_3 = arith.constant 0 : index
    %get3A_4 = arith.constant 0 : index
    %get3A_5 = vector.load %arg2[%get3A_3, %get3A_4] : memref<256x128xi32, #tpu.memory_space<vmem>>, vector<256x128xi32>
    %iota3A = tpu.iota {dimensions = array<i32: 0>} : vector<19x256x128xi32>
    %exp3A = math.exp %get3A_2 : vector<19x256x128xf32>
    %reduce_sum3A = arith.constant dense<0.000000e+00> : vector<256x128xf32>
    %reduce_sum3A_6 = vector.multi_reduction <add>, %exp3A, %reduce_sum3A [0] : vector<19x256x128xf32> to vector<256x128xf32>
    %broadcast_in_dim3A = vector.shape_cast %get3A_5 : vector<256x128xi32> to vector<1x256x128xi32>
    %eq3A = vector.broadcast %broadcast_in_dim3A : vector<1x256x128xi32> to vector<19x256x128xi32>
    %eq3A_7 = arith.cmpi eq, %iota3A, %eq3A : vector<19x256x128xi32>
    %jit3A = arith.constant 0.000000e+00 : f32
    %broadcast_in_dim3A_8 = vector.broadcast %jit3A : f32 to vector<19x256x128xf32>
    %select_n3A = arith.select %eq3A_7, %get3A_2, %broadcast_in_dim3A_8 : vector<19x256x128xi1>, vector<19x256x128xf32>
    %reduce_sum3A_9 = arith.constant dense<0.000000e+00> : vector<256x128xf32>
    %reduce_sum3A_10 = vector.multi_reduction <add>, %select_n3A, %reduce_sum3A_9 [0] : vector<19x256x128xf32> to vector<256x128xf32>
    %log3A = math.log %reduce_sum3A_6 : vector<256x128xf32>
    %sub3A = arith.subf %log3A, %reduce_sum3A_10 : vector<256x128xf32>
    %neg3A = arith.constant 0.000000e+00 : f32
    %neg3A_11 = vector.broadcast %neg3A : f32 to vector<256x128xf32>
    %neg3A_12 = arith.subf %neg3A_11, %sub3A : vector<256x128xf32>
    %exp3A_13 = math.exp %neg3A_12 : vector<256x128xf32>
    %swap3A = arith.constant 0 : index
    %swap3A_14 = arith.constant 0 : index
    %swap3A_15 = vector.load %arg3[%swap3A, %swap3A_14] : memref<256x128xf32, #tpu.memory_space<vmem>>, vector<256x128xf32>
    tpu.vector_store %arg3[%swap3A, %swap3A_14], %sub3A {strides = array<i32>} : memref<256x128xf32, #tpu.memory_space<vmem>>, vector<256x128xf32>,
    %bitcast_convert_type3A = tpu.bitcast %exp3A_13 : vector<256x128xf32> -> vector<256x128xi32>
    %swap3A_16 = arith.constant 0 : index
    %swap3A_17 = arith.constant 0 : index
    %swap3A_18 = vector.load %arg4[%swap3A_16, %swap3A_17] : memref<256x128xi32, #tpu.memory_space<vmem>>, vector<256x128xi32>
    tpu.vector_store %arg4[%swap3A_16, %swap3A_17], %bitcast_convert_type3A {strides = array<i32>} : memref<256x128xi32, #tpu.memory_space<vmem>>, vector<256x128xi32>,
    return
  }
  func.func @transform_0(%arg0: i32) -> (i32, i32, i32) {
    %c0_i32 = arith.constant 0 : i32
    %c0_i32_0 = arith.constant 0 : i32
    %c0_i32_1 = arith.constant 0 : i32
    return %c0_i32, %arg0, %c0_i32_0 : i32, i32, i32
  }
  func.func @transform_1(%arg0: i32) -> (i32, i32) {
    %c0_i32 = arith.constant 0 : i32
    %c0_i32_0 = arith.constant 0 : i32
    return %arg0, %c0_i32 : i32, i32
  }
  func.func @transform_2(%arg0: i32) -> (i32, i32) {
    %c0_i32 = arith.constant 0 : i32
    %c0_i32_0 = arith.constant 0 : i32
    return %arg0, %c0_i32 : i32, i32
  }
  func.func @transform_3(%arg0: i32) -> (i32, i32) {
    %c0_i32 = arith.constant 0 : i32
    %c0_i32_0 = arith.constant 0 : i32
    return %arg0, %c0_i32 : i32, i32
  }
}

module attributes {stable_mosaic.version = 14 : i64} {
  func.func @_search_body(%arg0: memref<2048x128xi32, #tpu.memory_space<vmem>>, %arg1: memref<2048x128xf32, #tpu.memory_space<vmem>>, %arg2: memref<1x1xf32, #tpu.memory_space<vmem>>) attributes {dimension_semantics = [], scalar_prefetch = 0 : i64, scratch_operands = 0 : i64, tpu.core_type = #tpu.core_type<tc>} {
    %get3A = arith.constant 0 : index
    %get3A_0 = arith.constant 0 : index
    %get3A_1 = vector.load %arg0[%get3A, %get3A_0] : memref<2048x128xi32, #tpu.memory_space<vmem>>, vector<2048x128xi32>
    %scan3A = arith.constant 0 : i32
    %scan3A_2 = arith.constant 1073741824 : i32
    %scan3A_3 = arith.constant 0 : i32
    %scan3A_4 = arith.constant 31 : i32
    %scan3A_5 = arith.addi %scan3A_3, %scan3A_4 : i32
    %scan3A_6 = arith.constant 1 : i32
    %scan3A_7:2 = scf.for %scan3A_26 = %scan3A_3 to %scan3A_5 step %scan3A_6 iter_args(%scan3A_27 = %scan3A, %scan3A_28 = %scan3A_2) -> (i32, i32)  : i32 {
      %add3A = arith.addi %scan3A_27, %scan3A_28 : i32
      %div3A_29 = arith.constant 2 : i32
      %div3A_30 = arith.divsi %add3A, %div3A_29 : i32
      %le3A = vector.broadcast %div3A_30 : i32 to vector<2048x128xi32>
      %le3A_31 = arith.cmpi sle, %get3A_1, %le3A : vector<2048x128xi32>
      %convert_element_type3A_32 = arith.extui %le3A_31 : vector<2048x128xi1> to vector<2048x128xi32>
      %reduce_sum3A_33 = vector.shape_cast %convert_element_type3A_32 : vector<2048x128xi32> to vector<1x2048x128xi32>
      %reduce_sum3A_34 = arith.constant dense<0> : vector<1xi32>
      %reduce_sum3A_35 = vector.multi_reduction <add>, %reduce_sum3A_33, %reduce_sum3A_34 [1, 2] : vector<1x2048x128xi32> to vector<1xi32>
      %reduce_sum3A_36 = vector.shape_cast %reduce_sum3A_35 : vector<1xi32> to vector<1x1x1xi32>
      %reduce_sum3A_37 = vector.extract %reduce_sum3A_36[0, 0, 0] : i32 from vector<1x1x1xi32>
      %ge3A = arith.constant 183501 : i32
      %ge3A_38 = arith.cmpi sge, %reduce_sum3A_37, %ge3A : i32
      %add3A_39 = arith.constant 1 : i32
      %add3A_40 = arith.addi %div3A_30, %add3A_39 : i32
      %select_n3A_41 = arith.select %ge3A_38, %scan3A_27, %add3A_40 : i32
      %select_n3A_42 = arith.select %ge3A_38, %div3A_30, %scan3A_28 : i32
      scf.yield %select_n3A_41, %select_n3A_42 : i32, i32
    }
    %max3A = arith.constant 1060320051 : i32
    %max3A_8 = arith.maxsi %scan3A_7#0, %max3A : i32
    %lt3A = vector.broadcast %max3A_8 : i32 to vector<2048x128xi32>
    %lt3A_9 = arith.cmpi slt, %get3A_1, %lt3A : vector<2048x128xi32>
    %get3A_10 = arith.constant 0 : index
    %get3A_11 = arith.constant 0 : index
    %get3A_12 = vector.load %arg1[%get3A_10, %get3A_11] : memref<2048x128xf32, #tpu.memory_space<vmem>>, vector<2048x128xf32>
    %jit3A = arith.constant 0.000000e+00 : f32
    %broadcast_in_dim3A = vector.broadcast %jit3A : f32 to vector<2048x128xf32>
    %select_n3A = arith.select %lt3A_9, %get3A_12, %broadcast_in_dim3A : vector<2048x128xi1>, vector<2048x128xf32>
    %reduce_sum3A = vector.shape_cast %select_n3A : vector<2048x128xf32> to vector<1x2048x128xf32>
    %reduce_sum3A_13 = arith.constant dense<0.000000e+00> : vector<1xf32>
    %reduce_sum3A_14 = vector.multi_reduction <add>, %reduce_sum3A, %reduce_sum3A_13 [1, 2] : vector<1x2048x128xf32> to vector<1xf32>
    %reduce_sum3A_15 = vector.shape_cast %reduce_sum3A_14 : vector<1xf32> to vector<1x1x1xf32>
    %reduce_sum3A_16 = vector.extract %reduce_sum3A_15[0, 0, 0] : f32 from vector<1x1x1xf32>
    %convert_element_type3A = arith.extui %lt3A_9 : vector<2048x128xi1> to vector<2048x128xi32>
    %convert_element_type3A_17 = arith.sitofp %convert_element_type3A : vector<2048x128xi32> to vector<2048x128xf32>
    %reduce_sum3A_18 = vector.shape_cast %convert_element_type3A_17 : vector<2048x128xf32> to vector<1x2048x128xf32>
    %reduce_sum3A_19 = arith.constant dense<0.000000e+00> : vector<1xf32>
    %reduce_sum3A_20 = vector.multi_reduction <add>, %reduce_sum3A_18, %reduce_sum3A_19 [1, 2] : vector<1x2048x128xf32> to vector<1xf32>
    %reduce_sum3A_21 = vector.shape_cast %reduce_sum3A_20 : vector<1xf32> to vector<1x1x1xf32>
    %reduce_sum3A_22 = vector.extract %reduce_sum3A_21[0, 0, 0] : f32 from vector<1x1x1xf32>
    %div3A = arith.divf %reduce_sum3A_16, %reduce_sum3A_22 : f32
    %broadcast_in_dim3A_23 = vector.broadcast %div3A : f32 to vector<1x1xf32>
    %swap3A = arith.constant 0 : index
    %swap3A_24 = arith.constant 0 : index
    %swap3A_25 = vector.load %arg2[%swap3A, %swap3A_24] : memref<1x1xf32, #tpu.memory_space<vmem>>, vector<1x1xf32>
    tpu.vector_store %arg2[%swap3A, %swap3A_24], %broadcast_in_dim3A_23 {strides = array<i32>} : memref<1x1xf32, #tpu.memory_space<vmem>>, vector<1x1xf32>,
    return
  }
}

</mosaic_0001>

<sc_bundles>
// kernel: kernel.4.cloned.1.call-start
scs
__scs_entry_jumppad:
0x0: {  	(pc) =	sbr.rel $0x88, $3  }
0x1: {  	(tag) =	ssettag $0x0;
	lr =	simm.s32 $0x1  }
0x2: {  	[smem:$0x3F9F] =	sst lr;
	_ =	strace $0xD0000000  }
0x3: {  	_ = 	snop  }
0x4: {  	_ = 	snop  }
0x5: {  	_ = 	snop  }
0x6: {  	_ = 	snop  }
0x7: {  	_ = 	snop  }
__scs_overlays_trampoline_lowered:
0x8: {  	[smem:$0x3FAE] =	sst s0  }
0x9: {  	[smem:$0x3FAF] =	sst s1  }
0xa: {  	[smem:$0x3FB0] =	sst s2  }
0xb: {  	[smem:$0x3FB1] =	sst s3  }
0xc: {  	[smem:$0x3FB2] =	sst s4  }
0xd: {  	[smem:$0x3FB3] =	sst s5  }
0xe: {  	[smem:$0x3FB4] =	sst s6  }
0xf: {  	[smem:$0x3FB5] =	sst s7  }
0x10: {  	[smem:$0x3FB6] =	sst s8  }
0x11: {  	[smem:$0x3FB7] =	sst s9;
	s0 =	simm.s32 @!p0 $0x0  }
0x12: {  	s1 =	sld [smem:$0x3F9D];
	s0 =	simm.s32 @p0 $0x1  }
0x13: {  	[smem:$0x3FB8] =	sst s0;
	s0 =	simm.s32 @!p1 $0x0  }
0x14: {  	s2 =	sld [smem:$0x3F9C];
	s0 =	simm.s32 @p1 $0x1  }
0x15: {  	[smem:$0x3FB9] =	sst s0;
	s0 =	simm.s32 @!p2 $0x0  }
0x16: {  	s3 =	sld [smem:$0x3FDB];
	s0 =	simm.s32 @p2 $0x1  }
0x17: {  	s4 =	simm.s32 $0x1BF5;
	[smem:$0x3FBB] =	sst s0  }
0x18: {  	s0 =	sld [smem:$0x3F9E];
	_ =	swait.ge [sflag:s4], $0x0  }
0x19: {  	s7 =	sld [smem:$0x3F9F]  }
0x1a: {  	s8 =	sadd.s32 $0xFFFFE003, lr  }
0x1b: {  	s9 =	sadd.s32 $0xFFFFFEF7, lr;
	s5 =	simm.s32 $0xFFFFFFFF;
	p2 =	slt.u32 s8, $0xFFFFF086  }
0x1c: {  	p1 =	slt.u32 s9, $0xF7A;
	s5 =	simm.s32 @!p2 $0x0  }
0x1d: {  	s5 =	simm.s32 @p1 $0x1;
	p0 =	seq.s32 s7, s2  }
0x1e: {  	s7 =	smul.u32 @!p0 $0xF7A, s2;
	p2 =	seq.s32 @!p0 s5, $0x0  }
0x1f: {  	s9 =	smul.u32 $0xF7A, s1;
	s8 =	simm.s32 @!p0 $0x1BF5;
	p2 =	por !p2, p0  }
0x20: {  	[sflag:s8] =	ssyncset.s32 @!p0 $0xFFFFF086;
	s6 =	sadd.s32 @!p0 s3, s7;
	s7 =	simm.s32 @!p0 $0x108  }
0x21: {  	s3 =	sadd.s32 s3, s9;
	s6 =	sadd.s32 @!p0 $0x88, s6;
	s7 =	simm.s32 @p2 $0x1082  }
0x22: {  	[simem:s7], [sflag:s8] =	dma.local @!p0 [hbm:s6], $0xF7A  }
0x23: {  	s9 =	sor.u32 $0xD0000000, s2;
	s6 =	simm.s32 $0x108;
	_ =	swait.ge @!p0 [sflag:s8], $0x0  }
0x24: {  	s3 =	sadd.s32 $0x88, s3;
	s6 =	simm.s32 @!p1 $0x1082;
	[sflag:s4] =	ssyncset.s32 $0xFFFFF086  }
0x25: {  	[simem:s6], [sflag:s4] =	dma.local [hbm:s3], $0xF7A  }
0x26: {  	[smem:$0x3F9F] =	sst s1;
	(tag) =	ssettag s2;
	_ =	strace s9  }
0x27: {  	s1 =	sld [smem:$0x3FAF]  }
0x28: {  	s2 =	sld [smem:$0x3FB0]  }
0x29: {  	s4 =	sld [smem:$0x3FB2]  }
0x2a: {  	p0 =	seq.s32 s5, $0x0;
	s5 =	sld [smem:$0x3FB3]  }
0x2b: {  	s6 =	sld [smem:$0x3FB4]  }
0x2c: {  	s7 =	sld [smem:$0x3FB5]  }
0x2d: {  	s3 =	simm.s32 $0x108;
	s8 =	sld [smem:$0x3FB6]  }
0x2e: {  	s3 =	simm.s32 @!p0 $0x1082;
	s9 =	sld [smem:$0x3FB7]  }
0x2f: {  	lr =	sadd.s32 s0, s3;
	s0 =	sld [smem:$0x3FAE]  }
0x30: {  	s3 =	sld [smem:$0x3FB1]  }
0x31: {  	[smem:$0x3FBA] =	sst s10  }
0x32: {  	s10 =	sld [smem:$0x3FB8];
	_ =	sdelay $0x3  }
0x33: {  	p0 =	seq.s32 s10, $0x1;
	s10 =	sld [smem:$0x3FBA];
	_ =	sdelay $0x3  }
0x34: {  	[smem:$0x3FBA] =	sst s10  }
0x35: {  	s10 =	sld [smem:$0x3FB9];
	_ =	sdelay $0x3  }
0x36: {  	p1 =	seq.s32 s10, $0x1;
	s10 =	sld [smem:$0x3FBA];
	_ =	sdelay $0x3  }
0x37: {  	[smem:$0x3FBA] =	sst s10  }
0x38: {  	s10 =	sld [smem:$0x3FBB]  }
0x39: {  	_ = 	snop;
	(pc) =	sbr.ind lr, $3  }
0x3a: {  	_ = 	snop  }
0x3b: {  	_ = 	snop  }
0x3c: {  	p2 =	seq.s32 s10, $0x1;
	s10 =	sld [smem:$0x3FBA]  }
0x3d: {  	_ =	shalt  }
0x3e: {  	_ =	shalt  }
0x3f: {  	_ =	shalt  }
0x40: {  	_ =	shalt  }
0x41: {  	_ =	shalt  }
0x42: {  	_ =	shalt  }
0x43: {  	_ =	shalt  }
0x44: {  	_ =	shalt  }
0x45: {  	_ =	shalt  }
0x46: {  	_ =	shalt  }
0x47: {  	_ =	shalt  }
0x48: {  	_ =	shalt  }
0x49: {  	_ =	shalt  }
0x4a: {  	_ =	shalt  }
0x4b: {  	_ =	shalt  }
0x4c: {  	_ =	shalt  }
0x4d: {  	_ =	shalt  }
0x4e: {  	_ =	shalt  }
0x4f: {  	_ =	shalt  }
0x50: {  	_ =	shalt  }
0x51: {  	_ =	shalt  }
0x52: {  	_ =	shalt  }
0x53: {  	_ =	shalt  }
0x54: {  	_ =	shalt  }
0x55: {  	_ =	shalt  }
0x56: {  	_ =	shalt  }
0x57: {  	_ =	shalt  }
0x58: {  	_ =	shalt  }
0x59: {  	_ =	shalt  }
0x5a: {  	_ =	shalt  }
0x5b: {  	_ =	shalt  }
0x5c: {  	_ =	shalt  }
0x5d: {  	_ =	shalt  }
0x5e: {  	_ =	shalt  }
0x5f: {  	_ =	shalt  }
0x60: {  	_ =	shalt  }
0x61: {  	_ =	shalt  }
0x62: {  	_ =	shalt  }
0x63: {  	_ =	shalt  }
0x64: {  	_ =	shalt  }
0x65: {  	_ =	shalt  }
0x66: {  	_ =	shalt  }
0x67: {  	_ =	shalt  }
0x68: {  	_ =	shalt  }
0x69: {  	_ =	shalt  }
0x6a: {  	_ =	shalt  }
0x6b: {  	_ =	shalt  }
0x6c: {  	_ =	shalt  }
0x6d: {  	_ =	shalt  }
0x6e: {  	_ =	shalt  }
0x6f: {  	_ =	shalt  }
0x70: {  	_ =	shalt  }
0x71: {  	_ =	shalt  }
0x72: {  	_ =	shalt  }
0x73: {  	_ =	shalt  }
0x74: {  	_ =	shalt  }
0x75: {  	_ =	shalt  }
0x76: {  	_ =	shalt  }
0x77: {  	_ =	shalt  }
0x78: {  	_ =	shalt  }
0x79: {  	_ =	shalt  }
0x7a: {  	_ =	shalt  }
0x7b: {  	_ =	shalt  }
0x7c: {  	_ =	shalt  }
0x7d: {  	_ =	shalt  }
0x7e: {  	_ =	shalt  }
0x7f: {  	_ =	shalt  }
0x80: {  	_ =	shalt  }
0x81: {  	_ =	shalt  }
0x82: {  	_ =	shalt  }
0x83: {  	_ =	shalt  }
0x84: {  	_ =	shalt  }
0x85: {  	_ =	shalt  }
0x86: {  	_ =	shalt  }
0x87: {  	_ =	shalt  }
.Lfunc_end0:
.L_simem_size_0:
called_computation_lowered:
.L_overlay_start_0:
0x88: {  	s2 =	sld [smem:$0x3FD9]  }
0x89: {  	s3 =	sld [smem:$0x3FFE];
	_ =	sdelay $0x1  }
0x8a: {  	s1 =	srdreg.scid  }
0x8b: {  	s0 =	sand.u32 $0x1, s1  }
0x8c: {  	s16 =	sshll.u32 s0, $0xA;
	s2 =	sadd.s32 s3, s2  }
0x8d: {  	s2 =	sadd.s32 s2, s16  }
0x8e: {  	[smem:$0x3FC6] =	sst s2  }
0x8f: {  	_ = 	snop  }
0x90: {  	(tm) =	ssettm $0x1  }
0x91: {  	s17 =	sld [smem:$0x3FFB];
	_ =	sdelay $0x3  }
0x92: {  	_ =	strace s17  }
0x93: {  	s2 =	sld [smem:$0x3FFC];
	_ =	sdelay $0x3  }
0x94: {  	_ =	strace s2  }
0x95: {  	s2 =	sld [smem:$0x3FFD];
	_ =	sdelay $0x3  }
0x96: {  	_ =	strace s2  }
0x97: {  	_ =	strace $0x8FFFFFFF  }
0x98: {  	s18 =	sld [smem:$0x3FDB];
	_ =	sdelay $0x1  }
0x99: {  	s19 =	simm.s32 $_scs_section_size  }
0x9a: {  	s4 =	simm.s32 $_size__tile_overlayer_lowered;
	s5 =	simm.s32 $_tile_overlayer_lowered  }
0x9b: {  	s22 =	simm.s32 $0x1BFF;
	s21 =	sshll.u32 s5, $0x1;
	s2 =	sadd.s32 s19, s18  }
0x9c: {  	s6 =	simm.s32 $0x0;
	s20 =	sshll.u32 s4, $0x1;
	s4 =	sadd.s32 s21, s2  }
0x9d: {  	[timem:s6], [sflag:s22] =	dma.local [hbm:s4], s20  }
0x9e: {  	_ =	swait.ge [sflag:s22], s20  }
0x9f: {  	s3 =	ssub.s32 $0x0, s20;
	[sflag:s22] =	ssyncset.done $0x0  }
0xa0: {  	[sflag:s22] =	ssyncadd.s32 s3;
	_ =	sdelay $0x1  }
0xa1: {  	s23 =	simm.s32 $0x1B8B  }
0xa2: {  	_ =	swait.ge [sflag:s23], $0x1  }
0xa3: {  	[sflag:s23] =	ssyncset.done $0x0  }
0xa4: {  	s25 =	simm.s32 $0x1B8E;
	s24 =	sld [smem:$0x3FFE];
	[sflag:s23] =	ssyncadd.s32 $0xFFFFFFFF  }
0xa5: {  	s26 =	simm.s32 $execute0_lowered;
	[smem:$0x3FD2] =	sst s25  }
0xa6: {  	s4 =	sshll.u32 s26, $0x1;
	_ =	strace $0x80000046;
	[dreg:$0x1] =	wrdreg $0xFFFFFFFF  }
0xa7: {  	s28 =	simm.s32 $_size_execute0_lowered;
	s2 =	sadd.s32 s2, s4;
	[dreg:$0x0] =	wrdreg $0x0  }
0xa8: {  	s4 =	sshll.u32 s28, $0x1;
	[dreg:$0x2] =	wrdreg s2  }
0xa9: {  	[dreg:$0x3] =	wrdreg s4  }
0xaa: {  	[dreg:$0x4] =	wrdreg $0xC0  }
0xab: {  	_ =	task [dreg:s6], $0x5FFFF  }
0xac: {  	[dreg:$0x1] =	wrdreg $0xFFFFFFFF  }
0xad: {  	[dreg:$0x0] =	wrdreg $0x60  }
0xae: {  	[dreg:$0x2] =	wrdreg s24  }
0xaf: {  	[dreg:$0x3] =	wrdreg $0x9  }
0xb0: {  	_ =	task.clear_ibuf [dreg:s6], $0x4FFFF;
	_ =	strace $0x90000046  }
0xb1: {  	s29 =	simm.s32 $0x9;
	_ =	strace $0x80000048  }
0xb2: {  	_ =	swait.ge [sflag:s29], $0x1  }
0xb3: {  	[sflag:s29] =	ssyncadd.s32 $0xFFFFFFFF  }
0xb4: {  	_ =	strace $0x90000048  }
0xb5: {  	_ =	sfence  }
0xb6: {  	s30 =	sld [smem:$0x0];
	_ =	sdelay $0x2  }
0xb7: {  	s31 =	sshll.u32 s1, $0xD;
	s1 =	sshrl.u32 s1, $0x2  }
0xb8: {  	s3 =	sand.u32 $0x4000, s31;
	s1 =	sadd.s32 s1, s30  }
0xb9: {  	s0 =	sor.u32 s3, s0;
	s1 =	sshll.u32 s1, $0x11  }
0xba: {  	s0 =	sor.u32 s1, s0  }
0xbb: {  	s0 =	sadd.s32 $0x8F2B, s0  }
0xbc: {  	[sflag:s0] =	ssyncadd.remote.s32 $0x1  }
0xbd: {  	_ =	sfence.sel $0xFFFF  }
0xbe: {  	[dreg:$0x0] =	wrdreg $0xFFFFFFFF;
	(pc) =	sbr.abs _section_cstart, $3  }
0xbf: {  	[dreg:$0x1] =	wrdreg $0xFFFFFFFF  }
0xc0: {  	_ =	task.clear_ibuf [dreg:s6], $0x2FFFF;
	_ =	strace $0x9FFFFFFF  }
0xc1: {  	(tm) =	ssettm $0x7FFFFFFF  }
tec
execute0_lowered:
.L_overlay_start_1:
0x0: {  	(tag) =	ssettag $0x1  }
0x1: {  	s3 =	rddreg [dreg:$0x0]  }
0x2: {  	s0 =	rddreg [dreg:$0x1];
	s2 =	simm.s32 $0x0;
	s4 =	srdreg.scid  }
0x3: {  	s1 =	stileid.u32;
	s8 =	simm.s32 $0x2000;
	s9 =	simm.s32 $0x4000  }
0x4: {  	[smem:$0x7FF] =	sst s2;
	s4 =	sand.u32 $0x1, s4;
	s5 =	sshll.u32 s1, $0x1  }
0x5: {  	s10 =	simm.s32 $0x0;
	_ =	strace $0x80000047;
	s5 =	sor.u32 s4, s5  }
0x6: {  	s4 =	ssub.s32 $0x2, s4;
	s6 =	sshll.u32 s5, $0xA;
	s5 =	sshll.u32 s5, $0x5  }
0x7: {  	s31 =	sshrl.u32 s4, $0x1;
	s6 =	sadd.s32 s6, s3;
	s5 =	sadd.s32 s5, s3  }
0x8: {  	s7 =	ssub.s32 s4, s31;
	s3 =	sadd.s32 $0x8400, s6;
	s4 =	sadd.s32 $0x400, s6  }
0x9: {  	v0 =	vimm.f32 $0.0e+00;
	s5 =	sadd.s32 $0x10400, s5;
	s6 =	smax.u32 s7, $0x1;
	s7 =	simm.s32 $0x1  }
.LBB2_1:
0xa: {  	[tilespmem:s2], [sflag:$0x1] =	stream.linear.gather [hbm4b:s3+s2], $0x2000, $0x38;
	[tilespmem:$0x4100] =	vst v63  }
0xb: {  	_ =	swait.ge [sflag:s7], $0x2000  }
0xc: {  	[sflag:s7] =	ssyncset.done $0x0  }
0xd: {  	[sflag:s7] =	ssyncadd.s32 $0xFFFFE000  }
0xe: {  	[tilespmem:s8], [sflag:$0x1] =	stream.linear.gather [hbm4b:s4+s2], $0x2000, $0x38;
	[tilespmem:$0x4100] =	vst v63  }
0xf: {  	_ =	swait.ge [sflag:s7], $0x2000  }
0x10: {  	[sflag:s7] =	ssyncset.done $0x0  }
0x11: {  	s12 =	simm.s32 $0x0;
	[sflag:s7] =	ssyncadd.s32 $0xFFFFE000  }
0x12: {  	v3 =	vld [tilespmem:s12+$0x0];
	_ =	sdelay $0x1  }
0x13: {  	v4 =	vld [tilespmem:s12+$0x2000]  }
0x14: {  	s11 =	simm.s32 $0x40;
	v1 =	vimm.f32 $0.0e+00;
	v2 =	vimm.f32 $0.0e+00  }
.LBB2_2:
0x15: {  	p0 =	sne.s32 s11, $0x7FC0  }
.Ltmp0:
0x16: {  	s12 =	sshra.s32 s11, $0x2;
	s11 =	sadd.s32 $0x40, s11;
	vm0 =	vlt.s32 v3, $0x3F333333;
	(pc) =	sbr.rel @p0 .LBB2_2-.Ltmp0, $4  }
0x17: {  	v3 =	vld [tilespmem:s12+$0x0];
	v5 =	vsel vm0, $0x3F800000, v0  }
0x18: {  	v1 =	vadd.f32 v5, v1;
	v5 =	vmul.f32 v5, v4  }
0x19: {  	v4 =	vld [tilespmem:s12+$0x2000]  }
0x1a: {  	v2 =	vadd.f32 v5, v2  }
0x1b: {  	_ = 	snop  }
0x1c: {  	vm0 =	vlt.s32 v3, $0x3F333333  }
0x1d: {  	v3 =	vsel vm0, $0x3F800000, v0  }
0x1e: {  	v4 =	vmul.f32 v3, v4  }
0x1f: {  	v1 =	vadd.f32 v3, v1  }
0x20: {  	s10 =	sadd.s32 $0x1, s10;
	v2 =	vadd.f32 v4, v2  }
0x21: {  	p0 =	sne.s32 s10, s6;
	[tilespmem:$0x4000] =	vst v1  }
.Ltmp1:
0x22: {  	[tilespmem:$0x4080] =	vst v2;
	(pc) =	sbr.rel @p0 .LBB2_1-.Ltmp1, $4  }
0x23: {  	[hbm4b:s5+s2] =	stream.linear.scatter [tilespmem:s9], [sflag:$0x1], $0x100, $0x38;
	[tilespmem:$0x4100] =	vst v63  }
0x24: {  	_ =	swait.ge [sflag:s7], $0x100  }
0x25: {  	[sflag:s7] =	ssyncset.done $0x0  }
0x26: {  	[sflag:s7] =	ssyncadd.s32 $0xFFFFFF00  }
0x27: {  	_ =	sfence.sel $0x180000  }
0x28: {  	[bflag:$0x0] =	sbarrier.arrive $0xFFFF  }
0x29: {  	p0 =	sne.s32 s1, $0x0;
	_ =	strace $0x90000047  }
0x2a: {  	s0 =	sadd.s32 @!p0 $0x100000, s0;
	[bflag:$0x2] =	sbarrier.arrive $0xFFFF  }
0x2b: {  	[sflag:s0] =	ssyncadd.tile.s32 @!p0 $0x1;
	_ =	shalt  }
.Lfunc_end2:
_tile_overlayer_lowered:
.L_overlay_start_2:
0x2c: {  	(tag) =	ssettag $0x2  }
0x2d: {  	s0 =	rddreg [dreg:$0x0];
	s2 =	stileid.u32  }
0x2e: {  	s1 =	rddreg [dreg:$0x1];
	p0 =	sne.s32 s2, $0x0  }
0x2f: {  	s3 =	rddreg [dreg:$0x2];
	[bflag:$0x3] =	sbarrier.arrive $0xFFFF;
	s2 =	simm.s32 @!p0 $0x1C01  }
0x30: {  	[timem:s3], [sflag:s2] =	dma.local @!p0 [hbm:s0], s1  }
0x31: {  	s0 =	simm.s32 @!p0 $0x1  }
0x32: {  	_ =	swait.ge @!p0 [sflag:s0], s1  }
0x33: {  	s1 =	ssub.s32 @!p0 $0x0, s1;
	[sflag:s0] =	ssyncset.done @!p0 $0x0  }
0x34: {  	[sflag:s0] =	ssyncadd.s32 @!p0 s1  }
0x35: {  	[bflag:$0x3] =	sbarrier.arrive $0xFFFF  }
0x36: {  	_ =	shalt  }

</sc_bundles>
